<compile_context>
chip_gen: v7x
topology: tpu7x:2x2x1
jax: 0.10.2.dev20260603
libtpu: 0.0.44.dev20260713+nightly
codegen_flags: <defaults>
</compile_context>

<pallas_src>
import functools

import jax
import jax.numpy as jnp
from jax import lax
from jax.experimental import pallas as pl
from jax.experimental.pallas import tpu as pltpu
from jax.experimental.pallas import tpu_sc as plsc

N = 100000
D = 128
G = 1024
OUT = 8

NW = 32
CHUNK = 128
NCHUNK = 25
ROWS_W = CHUNK * NCHUNK
NPAD = NW * ROWS_W


_BM = 3200


def _mm_body(x_ref, w_ref, h_ref):
    i = pl.program_id(0)
    h = jnp.dot(x_ref[...], w_ref[...], preferred_element_type=jnp.float32)
    rows = i * _BM + lax.broadcasted_iota(jnp.int32, (_BM, OUT), 0)
    h_ref[...] = jnp.where(rows < N, h, 0.0)


def _matmul(x, w):
    return pl.pallas_call(
        _mm_body,
        grid=(NPAD // _BM,),
        in_specs=[
            pl.BlockSpec((_BM, D), lambda i: (i, 0)),
            pl.BlockSpec((D, OUT), lambda i: (0, 0)),
        ],
        out_specs=pl.BlockSpec((_BM, OUT), lambda i: (i, 0)),
        out_shape=jax.ShapeDtypeStruct((NPAD, OUT), jnp.float32),
    )(x, w)


_ZROWS = G // 16


def _sc_body(h_hbm, seg_hbm, zero_hbm, out_hbm, acc_sh, segv, hv):
    c = lax.axis_index("c")
    s = lax.axis_index("s")

    @pl.when((s == 0) & (c == 0))
    def _():
        pltpu.sync_copy(zero_hbm, acc_sh)


def _segsum(h_pad, seg_pad):
    mesh = plsc.VectorSubcoreMesh(core_axis_name="c", subcore_axis_name="s", num_cores=1)
    fn = functools.partial(
        pl.kernel,
        mesh=mesh,
        out_type=jax.ShapeDtypeStruct((1, G, OUT), jnp.float32),
        scratch_types=[
            pltpu.VMEM_SHARED((G, OUT), jnp.float32),
            pltpu.VMEM((NCHUNK, CHUNK), jnp.int32),
            pltpu.VMEM((ROWS_W, OUT), jnp.float32),
        ],
        compiler_params=pltpu.CompilerParams(use_tc_tiling_on_sc=False, skip_device_barrier=True),
    )(_sc_body)
    return fn(
        h_pad.reshape(NW, ROWS_W, OUT),
        seg_pad.reshape(NW, NCHUNK, CHUNK),
        jnp.zeros((G, OUT), jnp.float32),
    )


def _fin_body(p_ref, o_ref):
    pred = p_ref[0] + p_ref[1]
    a = jax.lax.broadcast_in_dim(pred[:, 0:1], (G, OUT), (0, 1))
    b = jax.lax.broadcast_in_dim(pred[:, 1:2], (G, OUT), (0, 1))
    ab = a * b
    col = lax.broadcasted_iota(jnp.int32, (G, OUT), 1)
    o_ref[...] = jnp.where(col == 0, ab, jnp.where(col == 1, -ab, pred))


def _finalize(partial):
    return pl.pallas_call(
        _fin_body,
        out_shape=jax.ShapeDtypeStruct((G, OUT), jnp.float32),
    )(partial)


def kernel(x, segment_ids, W):
    seg = segment_ids.astype(jnp.int32)
    h_pad = _matmul(x, W)
    seg_pad = jnp.pad(seg, (0, NPAD - N))
    partial = _segsum(h_pad, seg_pad)
    return partial

# --- scband reference (transcript-rebuilt; emitter-appended) ---
"""Pipeline reference for scband-tetris-readout-66022237274558 (READ-ONLY COPY).

The authoritative reference and input builder live on the scoring server;
editing this copy changes nothing except your own understanding.
"""

import jax, jax.numpy as jnp
import numpy as np

N = 100000   # total nodes across batched graphs
D = 128      # node feature dim
G = 1024     # number of graphs (segments)
OUT = 8      # '0o + 7x0e' -> 8 scalar channels


def setup_inputs(seed: int = 0) -> dict:
    key = jax.random.key(seed)
    k1, k2, k3 = jax.random.split(key, 3)
    x = jax.random.normal(k1, (N, D), dtype=jnp.float32)
    segment_ids = jnp.sort(jax.random.randint(k2, (N,), 0, G)).astype(jnp.int64)
    W = jax.random.normal(k3, (D, OUT), dtype=jnp.float32) * (1.0 / np.sqrt(D))
    return {"x": x, "segment_ids": segment_ids, "W": W}


def reference(x, segment_ids, W):
    # e3nn.flax.Linear('0o + 7x0e') on scalar-ish features ~ dense linear to 8 channels
    h = x @ W  # [N, 8]
    # e3nn.scatter_sum(..., nel=graphs.n_node) == segment_sum over per-graph node segments
    pred = jax.ops.segment_sum(h, segment_ids, num_segments=G)  # [G, 8]
    odd, even1, even2 = pred[:, :1], pred[:, 1:2], pred[:, 2:]
    logits = jnp.concatenate([odd * even1, -odd * even1, even2], axis=1)  # [G, 8]
    return logits

if __name__ == "__main__":
    import jax
    _d = setup_inputs()
    print(jax.jit(kernel)(*tuple(_d.values())))

</pallas_src>

<mosaic_0001>
#map = affine_map<(d0, d1) -> (0, 0, 0)>
#map1 = affine_map<(d0, d1) -> (0, 0)>
module attributes {stable_mosaic.version = 14 : i64} {
  func.func @_sc_body(%arg0: i32, %arg1: i32, %arg2: memref<32x3200x8xf32, #tpu.memory_space<hbm>>, %arg3: memref<32x25x128xi32, #tpu.memory_space<hbm>>, %arg4: memref<1024x8xf32, #tpu.memory_space<hbm>>, %arg5: memref<1x1024x8xf32, #tpu.memory_space<hbm>>, %arg6: memref<1024x8xf32, #tpu.memory_space<vmem_shared>>, %arg7: memref<25x128xi32, #tpu.memory_space<vmem>>, %arg8: memref<3200x8xf32, #tpu.memory_space<vmem>>) attributes {dimension_semantics = [#tpu.dimension_semantics<core_parallel>, #tpu.dimension_semantics<subcore_parallel>], iteration_bounds = array<i64: 1, 16>, scalar_prefetch = 0 : i64, scratch_operands = 3 : i64, tpu.core_type = #tpu.core_type<sc_vector_subcore>, window_params = [{transform_indices = #map}, {transform_indices = #map}, {transform_indices = #map1}, {transform_indices = #map}]} {
    %eq3A = arith.constant 0 : i32
    %eq3A_0 = arith.cmpi eq, %arg1, %eq3A : i32
    %eq3A_1 = arith.constant 0 : i32
    %eq3A_2 = arith.cmpi eq, %arg0, %eq3A_1 : i32
    %and3A = arith.andi %eq3A_0, %eq3A_2 : i1
    %convert_element_type3A = arith.extui %and3A : i1 to i32
    %cond3A = arith.constant 0 : i32
    %cond3A_3 = arith.cmpi ne, %convert_element_type3A, %cond3A : i32
    scf.if %cond3A_3 {
      "tpu.region"() ({
        %run_scoped3A = tpu.sem_alloc : memref<!tpu.dma_semaphore, #tpu.memory_space<semaphore_mem>>
        tpu.enqueue_dma source(%arg4 : memref<1024x8xf32, #tpu.memory_space<hbm>>) target(%arg6 : memref<1024x8xf32, #tpu.memory_space<vmem_shared>>) target_semaphore(%run_scoped3A : memref<!tpu.dma_semaphore, #tpu.memory_space<semaphore_mem>>)
        tpu.wait_dma2 semaphore(%run_scoped3A : memref<!tpu.dma_semaphore, #tpu.memory_space<semaphore_mem>>) src(%arg4 : memref<1024x8xf32, #tpu.memory_space<hbm>>) dst(%arg6 : memref<1024x8xf32, #tpu.memory_space<vmem_shared>>)
        tpu.yield
      }) : () -> ()
    } else {
    }
    return
  }
}

module attributes {stable_mosaic.version = 14 : i64} {
  func.func @_mm_body(%arg0: i32, %arg1: memref<3200x128xf32, #tpu.memory_space<vmem>>, %arg2: memref<128x8xf32, #tpu.memory_space<vmem>>, %arg3: memref<3200x8xf32, #tpu.memory_space<vmem>>) attributes {dimension_semantics = [#tpu.dimension_semantics<arbitrary>], iteration_bounds = array<i64: 32>, scalar_prefetch = 0 : i64, scratch_operands = 0 : i64, tpu.core_type = #tpu.core_type<tc>, window_params = [{transform_indices = @transform_0, window_bounds = array<i64: 3200, 128>}, {pipeline_mode = #tpu.pipeline_mode<synchronous>, transform_indices = @transform_1, window_bounds = array<i64: 128, 8>}, {transform_indices = @transform_2, window_bounds = array<i64: 3200, 8>}]} {
    %get3A = arith.constant 0 : index
    %get3A_0 = arith.constant 0 : index
    %get3A_1 = vector.load %arg1[%get3A, %get3A_0] : memref<3200x128xf32, #tpu.memory_space<vmem>>, vector<3200x128xf32>
    %get3A_2 = arith.constant 0 : index
    %get3A_3 = arith.constant 0 : index
    %get3A_4 = vector.load %arg2[%get3A_2, %get3A_3] : memref<128x8xf32, #tpu.memory_space<vmem>>, vector<128x8xf32>
    %dot_general3A = arith.constant dense<0.000000e+00> : vector<3200x8xf32>
    %dot_general3A_5 = tpu.matmul %get3A_1, %get3A_4, %dot_general3A {dimension_numbers = #tpu.dot_dimension_numbers<[1], [0], [0], [1], [0, 0, 1, 1], [], []>, transpose_lhs_hint = false} : vector<3200x128xf32>, vector<128x8xf32>, vector<3200x8xf32> -> vector<3200x8xf32>
    %mul3A = arith.constant 3200 : i32
    %mul3A_6 = arith.muli %arg0, %mul3A : i32
    %iota3A = tpu.iota {dimensions = array<i32: 0>} : vector<3200x8xi32>
    %add3A = vector.broadcast %mul3A_6 : i32 to vector<3200x8xi32>
    %add3A_7 = arith.addi %add3A, %iota3A : vector<3200x8xi32>
    %lt3A = arith.constant 100000 : i32
    %lt3A_8 = vector.broadcast %lt3A : i32 to vector<3200x8xi32>
    %lt3A_9 = arith.cmpi slt, %add3A_7, %lt3A_8 : vector<3200x8xi32>
    %jit3A = arith.constant 0.000000e+00 : f32
    %broadcast_in_dim3A = vector.broadcast %jit3A : f32 to vector<3200x8xf32>
    %select_n3A = arith.select %lt3A_9, %dot_general3A_5, %broadcast_in_dim3A : vector<3200x8xi1>, vector<3200x8xf32>
    %swap3A = arith.constant 0 : index
    %swap3A_10 = arith.constant 0 : index
    %swap3A_11 = vector.load %arg3[%swap3A, %swap3A_10] : memref<3200x8xf32, #tpu.memory_space<vmem>>, vector<3200x8xf32>
    tpu.vector_store %arg3[%swap3A, %swap3A_10], %select_n3A {strides = array<i32>} : memref<3200x8xf32, #tpu.memory_space<vmem>>, vector<3200x8xf32>,
    return
  }
  func.func @transform_0(%arg0: i32) -> (i32, i32) {
    %c0_i32 = arith.constant 0 : i32
    %c0_i32_0 = arith.constant 0 : i32
    return %arg0, %c0_i32 : i32, i32
  }
  func.func @transform_1(%arg0: i32) -> (i32, i32) {
    %c0_i32 = arith.constant 0 : i32
    %c0_i32_0 = arith.constant 0 : i32
    %c0_i32_1 = arith.constant 0 : i32
    return %c0_i32, %c0_i32_0 : i32, i32
  }
  func.func @transform_2(%arg0: i32) -> (i32, i32) {
    %c0_i32 = arith.constant 0 : i32
    %c0_i32_0 = arith.constant 0 : i32
    return %arg0, %c0_i32 : i32, i32
  }
}

</mosaic_0001>

<sc_bundles>
// kernel: kernel.4.cloned.1.call-start
scs
__scs_entry_jumppad:
0x0: {  	(pc) =	sbr.rel $0x88, $3  }
0x1: {  	(tag) =	ssettag $0x0;
	lr =	simm.s32 $0x1  }
0x2: {  	[smem:$0x3F9E] =	sst lr;
	_ =	strace $0xD0000000  }
0x3: {  	_ = 	snop  }
0x4: {  	_ = 	snop  }
0x5: {  	_ = 	snop  }
0x6: {  	_ = 	snop  }
0x7: {  	_ = 	snop  }
__scs_overlays_trampoline_lowered:
0x8: {  	[smem:$0x3FAD] =	sst s0  }
0x9: {  	[smem:$0x3FAE] =	sst s1  }
0xa: {  	[smem:$0x3FAF] =	sst s2  }
0xb: {  	[smem:$0x3FB0] =	sst s3  }
0xc: {  	[smem:$0x3FB1] =	sst s4  }
0xd: {  	[smem:$0x3FB2] =	sst s5  }
0xe: {  	[smem:$0x3FB3] =	sst s6  }
0xf: {  	[smem:$0x3FB4] =	sst s7  }
0x10: {  	[smem:$0x3FB5] =	sst s8  }
0x11: {  	[smem:$0x3FB6] =	sst s9;
	s0 =	simm.s32 @!p0 $0x0  }
0x12: {  	s1 =	sld [smem:$0x3F9C];
	s0 =	simm.s32 @p0 $0x1  }
0x13: {  	[smem:$0x3FB7] =	sst s0;
	s0 =	simm.s32 @!p1 $0x0  }
0x14: {  	s2 =	sld [smem:$0x3F9B];
	s0 =	simm.s32 @p1 $0x1  }
0x15: {  	[smem:$0x3FB8] =	sst s0;
	s0 =	simm.s32 @!p2 $0x0  }
0x16: {  	s3 =	sld [smem:$0x3FDB];
	s0 =	simm.s32 @p2 $0x1  }
0x17: {  	s4 =	simm.s32 $0x1BF5;
	[smem:$0x3FBA] =	sst s0  }
0x18: {  	s0 =	sld [smem:$0x3F9D];
	_ =	swait.ge [sflag:s4], $0x0  }
0x19: {  	s7 =	sld [smem:$0x3F9E]  }
0x1a: {  	s8 =	sadd.s32 $0xFFFFE003, lr  }
0x1b: {  	s9 =	sadd.s32 $0xFFFFFEF7, lr;
	s5 =	simm.s32 $0xFFFFFFFF;
	p2 =	slt.u32 s8, $0xFFFFF086  }
0x1c: {  	p1 =	slt.u32 s9, $0xF7A;
	s5 =	simm.s32 @!p2 $0x0  }
0x1d: {  	s5 =	simm.s32 @p1 $0x1;
	p0 =	seq.s32 s7, s2  }
0x1e: {  	s7 =	smul.u32 @!p0 $0xF7A, s2;
	p2 =	seq.s32 @!p0 s5, $0x0  }
0x1f: {  	s9 =	smul.u32 $0xF7A, s1;
	s8 =	simm.s32 @!p0 $0x1BF5;
	p2 =	por !p2, p0  }
0x20: {  	[sflag:s8] =	ssyncset.s32 @!p0 $0xFFFFF086;
	s6 =	sadd.s32 @!p0 s3, s7;
	s7 =	simm.s32 @!p0 $0x108  }
0x21: {  	s3 =	sadd.s32 s3, s9;
	s6 =	sadd.s32 @!p0 $0x88, s6;
	s7 =	simm.s32 @p2 $0x1082  }
0x22: {  	[simem:s7], [sflag:s8] =	dma.local @!p0 [hbm:s6], $0xF7A  }
0x23: {  	s9 =	sor.u32 $0xD0000000, s2;
	s6 =	simm.s32 $0x108;
	_ =	swait.ge @!p0 [sflag:s8], $0x0  }
0x24: {  	s3 =	sadd.s32 $0x88, s3;
	s6 =	simm.s32 @!p1 $0x1082;
	[sflag:s4] =	ssyncset.s32 $0xFFFFF086  }
0x25: {  	[simem:s6], [sflag:s4] =	dma.local [hbm:s3], $0xF7A  }
0x26: {  	[smem:$0x3F9E] =	sst s1;
	(tag) =	ssettag s2;
	_ =	strace s9  }
0x27: {  	s1 =	sld [smem:$0x3FAE]  }
0x28: {  	s2 =	sld [smem:$0x3FAF]  }
0x29: {  	s4 =	sld [smem:$0x3FB1]  }
0x2a: {  	p0 =	seq.s32 s5, $0x0;
	s5 =	sld [smem:$0x3FB2]  }
0x2b: {  	s6 =	sld [smem:$0x3FB3]  }
0x2c: {  	s7 =	sld [smem:$0x3FB4]  }
0x2d: {  	s3 =	simm.s32 $0x108;
	s8 =	sld [smem:$0x3FB5]  }
0x2e: {  	s3 =	simm.s32 @!p0 $0x1082;
	s9 =	sld [smem:$0x3FB6]  }
0x2f: {  	lr =	sadd.s32 s0, s3;
	s0 =	sld [smem:$0x3FAD]  }
0x30: {  	s3 =	sld [smem:$0x3FB0]  }
0x31: {  	[smem:$0x3FB9] =	sst s10  }
0x32: {  	s10 =	sld [smem:$0x3FB7];
	_ =	sdelay $0x3  }
0x33: {  	p0 =	seq.s32 s10, $0x1;
	s10 =	sld [smem:$0x3FB9];
	_ =	sdelay $0x3  }
0x34: {  	[smem:$0x3FB9] =	sst s10  }
0x35: {  	s10 =	sld [smem:$0x3FB8];
	_ =	sdelay $0x3  }
0x36: {  	p1 =	seq.s32 s10, $0x1;
	s10 =	sld [smem:$0x3FB9];
	_ =	sdelay $0x3  }
0x37: {  	[smem:$0x3FB9] =	sst s10  }
0x38: {  	s10 =	sld [smem:$0x3FBA]  }
0x39: {  	_ = 	snop;
	(pc) =	sbr.ind lr, $3  }
0x3a: {  	_ = 	snop  }
0x3b: {  	_ = 	snop  }
0x3c: {  	p2 =	seq.s32 s10, $0x1;
	s10 =	sld [smem:$0x3FB9]  }
0x3d: {  	_ =	shalt  }
0x3e: {  	_ =	shalt  }
0x3f: {  	_ =	shalt  }
0x40: {  	_ =	shalt  }
0x41: {  	_ =	shalt  }
0x42: {  	_ =	shalt  }
0x43: {  	_ =	shalt  }
0x44: {  	_ =	shalt  }
0x45: {  	_ =	shalt  }
0x46: {  	_ =	shalt  }
0x47: {  	_ =	shalt  }
0x48: {  	_ =	shalt  }
0x49: {  	_ =	shalt  }
0x4a: {  	_ =	shalt  }
0x4b: {  	_ =	shalt  }
0x4c: {  	_ =	shalt  }
0x4d: {  	_ =	shalt  }
0x4e: {  	_ =	shalt  }
0x4f: {  	_ =	shalt  }
0x50: {  	_ =	shalt  }
0x51: {  	_ =	shalt  }
0x52: {  	_ =	shalt  }
0x53: {  	_ =	shalt  }
0x54: {  	_ =	shalt  }
0x55: {  	_ =	shalt  }
0x56: {  	_ =	shalt  }
0x57: {  	_ =	shalt  }
0x58: {  	_ =	shalt  }
0x59: {  	_ =	shalt  }
0x5a: {  	_ =	shalt  }
0x5b: {  	_ =	shalt  }
0x5c: {  	_ =	shalt  }
0x5d: {  	_ =	shalt  }
0x5e: {  	_ =	shalt  }
0x5f: {  	_ =	shalt  }
0x60: {  	_ =	shalt  }
0x61: {  	_ =	shalt  }
0x62: {  	_ =	shalt  }
0x63: {  	_ =	shalt  }
0x64: {  	_ =	shalt  }
0x65: {  	_ =	shalt  }
0x66: {  	_ =	shalt  }
0x67: {  	_ =	shalt  }
0x68: {  	_ =	shalt  }
0x69: {  	_ =	shalt  }
0x6a: {  	_ =	shalt  }
0x6b: {  	_ =	shalt  }
0x6c: {  	_ =	shalt  }
0x6d: {  	_ =	shalt  }
0x6e: {  	_ =	shalt  }
0x6f: {  	_ =	shalt  }
0x70: {  	_ =	shalt  }
0x71: {  	_ =	shalt  }
0x72: {  	_ =	shalt  }
0x73: {  	_ =	shalt  }
0x74: {  	_ =	shalt  }
0x75: {  	_ =	shalt  }
0x76: {  	_ =	shalt  }
0x77: {  	_ =	shalt  }
0x78: {  	_ =	shalt  }
0x79: {  	_ =	shalt  }
0x7a: {  	_ =	shalt  }
0x7b: {  	_ =	shalt  }
0x7c: {  	_ =	shalt  }
0x7d: {  	_ =	shalt  }
0x7e: {  	_ =	shalt  }
0x7f: {  	_ =	shalt  }
0x80: {  	_ =	shalt  }
0x81: {  	_ =	shalt  }
0x82: {  	_ =	shalt  }
0x83: {  	_ =	shalt  }
0x84: {  	_ =	shalt  }
0x85: {  	_ =	shalt  }
0x86: {  	_ =	shalt  }
0x87: {  	_ =	shalt  }
.Lfunc_end0:
.L_simem_size_0:
called_computation_lowered:
.L_overlay_start_0:
0x88: {  	s0 =	sld [smem:$0x3FD9]  }
0x89: {  	s1 =	sld [smem:$0x3FFE];
	_ =	sdelay $0x3  }
0x8a: {  	s0 =	sadd.s32 s1, s0  }
0x8b: {  	[smem:$0x3FC5] =	sst s0  }
0x8c: {  	_ = 	snop  }
0x8d: {  	s0 =	sld [smem:$0x3FD0];
	(tm) =	ssettm $0x1  }
0x8e: {  	s17 =	sld [smem:$0x3FFB];
	_ =	sdelay $0x3  }
0x8f: {  	_ =	strace s17  }
0x90: {  	s1 =	sld [smem:$0x3FFC];
	_ =	sdelay $0x3  }
0x91: {  	_ =	strace s1  }
0x92: {  	s1 =	sld [smem:$0x3FFD];
	_ =	sdelay $0x3  }
0x93: {  	_ =	strace s1  }
0x94: {  	_ =	strace $0x8FFFFFFF  }
0x95: {  	s18 =	sld [smem:$0x3FDB];
	_ =	sdelay $0x1  }
0x96: {  	s2 =	simm.s32 $_scs_section_size  }
0x97: {  	s3 =	simm.s32 $_size__tile_overlayer_lowered;
	s4 =	simm.s32 $_tile_overlayer_lowered  }
0x98: {  	s21 =	simm.s32 $0x1BFF;
	s20 =	sshll.u32 s4, $0x1;
	s1 =	sadd.s32 s2, s18  }
0x99: {  	s5 =	simm.s32 $0x0;
	s19 =	sshll.u32 s3, $0x1;
	s3 =	sadd.s32 s20, s1  }
0x9a: {  	[timem:s5], [sflag:s21] =	dma.local [hbm:s3], s19  }
0x9b: {  	_ =	swait.ge [sflag:s21], s19  }
0x9c: {  	s2 =	ssub.s32 $0x0, s19;
	[sflag:s21] =	ssyncset.done $0x0  }
0x9d: {  	[sflag:s21] =	ssyncadd.s32 s2;
	_ =	sdelay $0x1  }
0x9e: {  	s22 =	simm.s32 $0x1B8B  }
0x9f: {  	_ =	swait.ge [sflag:s22], $0x1  }
0xa0: {  	[sflag:s22] =	ssyncset.done $0x0  }
0xa1: {  	s23 =	simm.s32 $0x1B8E;
	[sflag:s22] =	ssyncadd.s32 $0xFFFFFFFF  }
0xa2: {  	s24 =	simm.s32 $execute0_lowered;
	[smem:$0x3FD2] =	sst s23  }
0xa3: {  	s2 =	sshll.u32 s24, $0x1;
	_ =	strace $0x80000046;
	[dreg:$0x1] =	wrdreg $0xFFFFFFFF  }
0xa4: {  	s25 =	simm.s32 $_size_execute0_lowered;
	s1 =	sadd.s32 s1, s2;
	[dreg:$0x0] =	wrdreg $0x0  }
0xa5: {  	s2 =	sshll.u32 s25, $0x1;
	[dreg:$0x2] =	wrdreg s1  }
0xa6: {  	[dreg:$0x3] =	wrdreg s2  }
0xa7: {  	[dreg:$0x4] =	wrdreg $0xC0  }
0xa8: {  	_ =	task [dreg:s5], $0x5FFFF  }
0xa9: {  	[dreg:$0x1] =	wrdreg $0xFFFFFFFF  }
0xaa: {  	[dreg:$0x0] =	wrdreg $0x60  }
0xab: {  	[dreg:$0x2] =	wrdreg s0  }
0xac: {  	[dreg:$0x3] =	wrdreg $0x0  }
0xad: {  	[dreg:$0x4] =	wrdreg $0x9  }
0xae: {  	_ =	task.clear_ibuf [dreg:s5], $0x5FFFF;
	_ =	strace $0x90000046  }
0xaf: {  	s26 =	simm.s32 $0x9;
	_ =	strace $0x80000048  }
0xb0: {  	_ =	swait.ge [sflag:s26], $0x1  }
0xb1: {  	[sflag:s26] =	ssyncadd.s32 $0xFFFFFFFF  }
0xb2: {  	_ =	strace $0x90000048  }
0xb3: {  	_ =	sfence  }
0xb4: {  	s28 =	sld [smem:$0x0];
	_ =	sdelay $0x1  }
0xb5: {  	s29 =	srdreg.scid  }
0xb6: {  	s30 =	sshll.u32 s29, $0xD;
	s31 =	sshrl.u32 s29, $0x2  }
0xb7: {  	s1 =	sand.u32 $0x1, s29;
	s2 =	sand.u32 $0x4000, s30;
	s0 =	sadd.s32 s31, s28  }
0xb8: {  	s1 =	sor.u32 s2, s1;
	s0 =	sshll.u32 s0, $0x11  }
0xb9: {  	s0 =	sor.u32 s0, s1  }
0xba: {  	s0 =	sadd.s32 $0x8F2B, s0  }
0xbb: {  	[sflag:s0] =	ssyncadd.remote.s32 $0x1  }
0xbc: {  	_ =	sfence.sel $0xFFFF  }
0xbd: {  	[dreg:$0x0] =	wrdreg $0xFFFFFFFF;
	(pc) =	sbr.abs _section_cstart, $3  }
0xbe: {  	[dreg:$0x1] =	wrdreg $0xFFFFFFFF  }
0xbf: {  	_ =	task.clear_ibuf [dreg:s5], $0x2FFFF;
	_ =	strace $0x9FFFFFFF  }
0xc0: {  	(tm) =	ssettm $0x7FFFFFFF  }
0xc1: {  	_ =	shalt  }
tec
execute0_lowered:
.L_overlay_start_1:
0x0: {  	(tag) =	ssettag $0x1  }
0x1: {  	s0 =	rddreg [dreg:$0x0]  }
0x2: {  	s1 =	rddreg [dreg:$0x1];
	s3 =	stileid.u32  }
0x3: {  	s2 =	rddreg [dreg:$0x2];
	_ =	strace $0x80000047;
	p0 =	sne.s32 s3, $0x0  }
0x4: {  	_ =	sfence.sel @p0 $0x180000  }
0x5: {  	[bflag:$0x0] =	sbarrier.arrive @p0 $0xFFFF  }
0x6: {  	_ =	strace @p0 $0x90000047  }
0x7: {  	s1 =	sshrl.u32 @!p0 s1, $0x3;
	s3 =	simm.s32 @!p0 $0x1C01;
	[bflag:$0x2] =	sbarrier.arrive @p0 $0xFFFF  }
0x8: {  	[spmem:s1], [sflag:s3] =	dma.local @!p0 [hbm:s0], $0x400  }
0x9: {  	s0 =	simm.s32 @!p0 $0x1  }
0xa: {  	_ =	swait.ge @!p0 [sflag:s0], $0x400  }
0xb: {  	[sflag:s0] =	ssyncset.done @!p0 $0x0  }
0xc: {  	[sflag:s0] =	ssyncadd.s32 @!p0 $0xFFFFFC00  }
0xd: {  	_ =	sfence.sel @!p0 $0x180000  }
0xe: {  	[bflag:$0x0] =	sbarrier.arrive @!p0 $0xFFFF  }
0xf: {  	_ =	strace @!p0 $0x90000047  }
0x10: {  	s0 =	sadd.s32 @!p0 $0x100000, s2;
	[bflag:$0x2] =	sbarrier.arrive @!p0 $0xFFFF  }
0x11: {  	[sflag:s0] =	ssyncadd.tile.s32 @!p0 $0x1;
	_ =	shalt  }
.Lfunc_end2:
_tile_overlayer_lowered:
.L_overlay_start_2:
0x12: {  	(tag) =	ssettag $0x2  }
0x13: {  	s0 =	rddreg [dreg:$0x0];
	s2 =	stileid.u32  }
0x14: {  	s1 =	rddreg [dreg:$0x1];
	p0 =	sne.s32 s2, $0x0  }
0x15: {  	s3 =	rddreg [dreg:$0x2];
	[bflag:$0x3] =	sbarrier.arrive $0xFFFF;
	s2 =	simm.s32 @!p0 $0x1C01  }
0x16: {  	[timem:s3], [sflag:s2] =	dma.local @!p0 [hbm:s0], s1  }
0x17: {  	s0 =	simm.s32 @!p0 $0x1  }
0x18: {  	_ =	swait.ge @!p0 [sflag:s0], s1  }
0x19: {  	s1 =	ssub.s32 @!p0 $0x0, s1;
	[sflag:s0] =	ssyncset.done @!p0 $0x0  }
0x1a: {  	[sflag:s0] =	ssyncadd.s32 @!p0 s1  }
0x1b: {  	[bflag:$0x3] =	sbarrier.arrive $0xFFFF  }
0x1c: {  	_ =	shalt  }

</sc_bundles>
